<compile_context>
chip_gen: v7x
topology: tpu7x:2x2x1
jax: 0.10.2.dev20260603
libtpu: 0.0.44.dev20260713+nightly
codegen_flags: <defaults>
</compile_context>

<pallas_src>
import functools

import jax
import jax.numpy as jnp
from jax import lax
from jax.experimental import pallas as pl
from jax.experimental.pallas import tpu as pltpu
from jax.experimental.pallas import tpu_sc as plsc

_VOCAB = 2940
_EMB = 32
_B = 16384

_NC = 2
_NS = 16
_NW = _NC * _NS
_BPW = _B // _NW
_GC = _BPW // 4

_BS = 8192
_PK = _BS // 4
_WPB = _BS // _BPW


@functools.cache
def _sc_gather_kernel():
    mesh = plsc.VectorSubcoreMesh(core_axis_name="c", subcore_axis_name="s")

    @functools.partial(
        pl.kernel,
        mesh=mesh,
        out_type=jax.ShapeDtypeStruct((_B // 4, 4 * _EMB), jnp.float32),
        scratch_types=[
            pltpu.VMEM((4, _GC), jnp.int32),
            [pltpu.VMEM((_GC, _EMB), jnp.float32) for _ in range(4)],
            [pltpu.SemaphoreType.DMA for _ in range(4)],
            [pltpu.SemaphoreType.DMA for _ in range(4)],
        ],
        compiler_params=pltpu.CompilerParams(use_tc_tiling_on_sc=False),
    )
    def sc_gather(table_hbm, idx_hbm, out_hbm, idx_v, rows_v, gsem, wsem):
        wid = lax.axis_index("s") * _NC + lax.axis_index("c")
        blk = wid // _WPB
        sub = wid % _WPB
        row0 = wid * _GC
        pltpu.sync_copy(
            idx_hbm.at[pl.ds(blk * 4, 4), pl.ds(sub * _GC, _GC)], idx_v)
        gathers = []
        for j in range(4):
            gathers.append(pltpu.async_copy(
                table_hbm.at[idx_v.at[j]], rows_v[j], gsem[j]))
        writes = []
        for j in range(4):
            gathers[j].wait()
            writes.append(pltpu.async_copy(
                rows_v[j],
                out_hbm.at[pl.ds(row0, _GC), pl.ds(j * _EMB, _EMB)], wsem[j]))
        for w in writes:
            w.wait()

    return sc_gather


def _dotT(a, b):
    return lax.dot_general(a, b, (((0,), (0,)), ((), ())),
                           preferred_element_type=jnp.float32)


def _mlp_body(emb_ref, x_ref, y_ref, p_ref, w1_ref, b1_ref, w2t_ref, b2_ref,
              w3_ref, b3_ref, out_ref):
    p_blk = emb_ref[:]
    h1T = jnp.concatenate(
        [_dotT(w1_ref[0:_EMB, :], p_blk[:, _EMB * j:_EMB * (j + 1)].T)
         for j in range(4)], axis=1)
    xyz = jnp.concatenate([jnp.reshape(x_ref[:], (1, _BS)),
                           jnp.reshape(y_ref[:], (1, _BS)),
                           jnp.reshape(p_ref[:], (1, _BS))], axis=0)
    h1T = h1T + _dotT(w1_ref[_EMB:_EMB + 3, :], xyz)
    h1T = jnp.maximum(h1T + jnp.reshape(b1_ref[:], (1, 128)).T, 0.0)
    h2T = jnp.dot(w2t_ref[:], h1T,
                  preferred_element_type=jnp.float32)
    h2T = jnp.maximum(h2T + jnp.reshape(b2_ref[:], (1, 64)).T, 0.0)
    outT = jnp.dot(jnp.reshape(w3_ref[:], (1, 64)), h2T,
                   preferred_element_type=jnp.float32)
    out_ref[:] = jnp.reshape(outT + jnp.reshape(b3_ref[:], (1, 1)), (_BS,))


def _tc_mlp(emb_pk, x1, y1, p1, w1, b1, w2t, b2, w3, b3):
    grid = (_B // _BS,)
    full = lambda shape: pl.BlockSpec(shape, lambda i: tuple(0 for _ in shape))
    vec = lambda: pl.BlockSpec((_BS,), lambda i: (i,))
    return pl.pallas_call(
        _mlp_body,
        grid=grid,
        in_specs=[
            pl.BlockSpec((_PK, 128), lambda i: (i, 0)),
            vec(),
            vec(),
            vec(),
            full((_EMB + 3, 128)),
            full((128,)),
            full((64, 128)),
            full((64,)),
            full((64,)),
            full((1,)),
        ],
        out_specs=vec(),
        out_shape=jax.ShapeDtypeStruct((_B,), jnp.float32),
    )(emb_pk, x1, y1, p1, w1, b1, w2t, b2, w3, b3)


@jax.jit
def kernel(ids, x, y, p, table, W1, b1, W2, b2, W3, b3):
    ids = ids.astype(jnp.int32)
    emb_pk = _sc_gather_kernel()(table, jnp.reshape(ids, (_B // _PK, _PK)))
    out1 = _tc_mlp(emb_pk, jnp.ravel(x), jnp.ravel(y), jnp.ravel(p),
                   W1, b1, jnp.transpose(W2), b2, jnp.ravel(W3), b3)
    return jnp.reshape(out1, (_B, 1))

# --- scband reference (transcript-rebuilt; emitter-appended) ---
"""Pipeline reference for scband-neural-network-2-51522427683156 (READ-ONLY COPY).

The authoritative reference and input builder live on the scoring server;
editing this copy changes nothing except your own understanding.
"""

import jax, jax.numpy as jnp
import numpy as np

VOCAB = 2940
EMB = 32
B = 16384

def setup_inputs(seed: int = 0) -> dict:
    key = jax.random.key(seed)
    ks = jax.random.split(key, 12)
    ids = jax.random.randint(ks[0], (B,), 0, VOCAB, dtype=jnp.int64) if jax.config.jax_enable_x64 else jax.random.randint(ks[0], (B,), 0, VOCAB, dtype=jnp.int32)
    x = jax.random.normal(ks[1], (B, 1), dtype=jnp.float32)
    y = jax.random.normal(ks[2], (B, 1), dtype=jnp.float32)
    p = jax.random.normal(ks[3], (B, 1), dtype=jnp.float32)
    table = jax.random.normal(ks[4], (VOCAB, EMB), dtype=jnp.float32)
    W1 = jax.random.normal(ks[5], (EMB + 3, 128), dtype=jnp.float32) * (1.0 / np.sqrt(EMB + 3))
    b1 = jnp.zeros((128,), dtype=jnp.float32)
    W2 = jax.random.normal(ks[6], (128, 64), dtype=jnp.float32) * (1.0 / np.sqrt(128))
    b2 = jnp.zeros((64,), dtype=jnp.float32)
    W3 = jax.random.normal(ks[7], (64, 1), dtype=jnp.float32) * (1.0 / np.sqrt(64))
    b3 = jnp.zeros((1,), dtype=jnp.float32)
    return {"ids": ids, "x": x, "y": y, "p": p, "table": table, "W1": W1, "b1": b1, "W2": W2, "b2": b2, "W3": W3, "b3": b3}

def reference(ids, x, y, p, table, W1, b1, W2, b2, W3, b3):
    embedded_ids = jnp.take(table, ids, axis=0)
    other_features = jnp.concatenate((x, y, p), axis=1)
    combined_input = jnp.concatenate((embedded_ids, other_features), axis=1)
    h = jax.nn.relu(combined_input @ W1 + b1)
    h = jax.nn.relu(h @ W2 + b2)
    out = h @ W3 + b3
    return out

if __name__ == "__main__":
    import jax
    _d = setup_inputs()
    print(jax.jit(kernel)(*tuple(_d.values())))

</pallas_src>

<mosaic_0001>
#map = affine_map<(d0, d1) -> (0, 0)>
module attributes {stable_mosaic.version = 14 : i64} {
  func.func @sc_gather(%arg0: i32, %arg1: i32, %arg2: memref<2940x32xf32, #tpu.memory_space<hbm>>, %arg3: memref<8x2048xi32, #tpu.memory_space<hbm>>, %arg4: memref<4096x128xf32, #tpu.memory_space<hbm>>, %arg5: memref<4x128xi32, #tpu.memory_space<vmem>>, %arg6: memref<128x32xf32, #tpu.memory_space<vmem>>, %arg7: memref<128x32xf32, #tpu.memory_space<vmem>>, %arg8: memref<128x32xf32, #tpu.memory_space<vmem>>, %arg9: memref<128x32xf32, #tpu.memory_space<vmem>>, %arg10: memref<!tpu.dma_semaphore, #tpu.memory_space<semaphore_mem>>, %arg11: memref<!tpu.dma_semaphore, #tpu.memory_space<semaphore_mem>>, %arg12: memref<!tpu.dma_semaphore, #tpu.memory_space<semaphore_mem>>, %arg13: memref<!tpu.dma_semaphore, #tpu.memory_space<semaphore_mem>>, %arg14: memref<!tpu.dma_semaphore, #tpu.memory_space<semaphore_mem>>, %arg15: memref<!tpu.dma_semaphore, #tpu.memory_space<semaphore_mem>>, %arg16: memref<!tpu.dma_semaphore, #tpu.memory_space<semaphore_mem>>, %arg17: memref<!tpu.dma_semaphore, #tpu.memory_space<semaphore_mem>>) attributes {dimension_semantics = [#tpu.dimension_semantics<core_parallel>, #tpu.dimension_semantics<subcore_parallel>], iteration_bounds = array<i64: 2, 16>, scalar_prefetch = 0 : i64, scratch_operands = 13 : i64, tpu.core_type = #tpu.core_type<sc_vector_subcore>, window_params = [{transform_indices = #map}, {transform_indices = #map}, {transform_indices = #map}]} {
    %mul3A = arith.constant 2 : i32
    %mul3A_0 = arith.muli %arg1, %mul3A : i32
    %add3A = arith.addi %mul3A_0, %arg0 : i32
    %jit3A = arith.constant 16 : i32
    %div3A = arith.divsi %add3A, %jit3A : i32
    %sign3A = arith.constant 0 : i32
    %sign3A_1 = arith.cmpi sgt, %add3A, %sign3A : i32
    %sign3A_2 = arith.extui %sign3A_1 : i1 to i32
    %sign3A_3 = arith.constant 0 : i32
    %sign3A_4 = arith.cmpi slt, %add3A, %sign3A_3 : i32
    %sign3A_5 = arith.extui %sign3A_4 : i1 to i32
    %sign3A_6 = arith.subi %sign3A_2, %sign3A_5 : i32
    %sign3A_7 = arith.constant 0 : i32
    %sign3A_8 = arith.cmpi sgt, %jit3A, %sign3A_7 : i32
    %sign3A_9 = arith.extui %sign3A_8 : i1 to i32
    %sign3A_10 = arith.constant 0 : i32
    %sign3A_11 = arith.cmpi slt, %jit3A, %sign3A_10 : i32
    %sign3A_12 = arith.extui %sign3A_11 : i1 to i32
    %sign3A_13 = arith.subi %sign3A_9, %sign3A_12 : i32
    %ne3A = arith.cmpi ne, %sign3A_6, %sign3A_13 : i32
    %rem3A = arith.remsi %add3A, %jit3A : i32
    %ne3A_14 = arith.constant 0 : i32
    %ne3A_15 = arith.cmpi ne, %rem3A, %ne3A_14 : i32
    %and3A = arith.andi %ne3A, %ne3A_15 : i1
    %sub3A = arith.constant 1 : i32
    %sub3A_16 = arith.subi %div3A, %sub3A : i32
    %select_n3A = arith.select %and3A, %sub3A_16, %div3A : i32
    %jit3A_17 = arith.constant 16 : i32
    %eq3A = arith.constant 0 : i32
    %eq3A_18 = arith.cmpi eq, %jit3A_17, %eq3A : i32
    %jit3A_19 = arith.constant 1 : i32
    %select_n3A_20 = arith.select %eq3A_18, %jit3A_19, %jit3A_17 : i32
    %rem3A_21 = arith.remsi %add3A, %select_n3A_20 : i32
    %ne3A_22 = arith.constant 0 : i32
    %ne3A_23 = arith.cmpi ne, %rem3A_21, %ne3A_22 : i32
    %lt3A = arith.constant 0 : i32
    %lt3A_24 = arith.cmpi slt, %rem3A_21, %lt3A : i32
    %lt3A_25 = arith.constant 0 : i32
    %lt3A_26 = arith.cmpi slt, %select_n3A_20, %lt3A_25 : i32
    %ne3A_27 = arith.xori %lt3A_24, %lt3A_26 : i1
    %and3A_28 = arith.andi %ne3A_27, %ne3A_23 : i1
    %add3A_29 = arith.addi %rem3A_21, %select_n3A_20 : i32
    %select_n3A_30 = arith.select %and3A_28, %add3A_29, %rem3A_21 : i32
    %mul3A_31 = arith.constant 128 : i32
    %mul3A_32 = arith.muli %add3A, %mul3A_31 : i32
    %mul3A_33 = arith.constant 4 : i32
    %mul3A_34 = arith.muli %select_n3A, %mul3A_33 : i32
    %mul3A_35 = arith.constant 128 : i32
    %mul3A_36 = arith.muli %select_n3A_30, %mul3A_35 : i32
    "tpu.region"() ({
      %run_scoped3A = tpu.sem_alloc : memref<!tpu.dma_semaphore, #tpu.memory_space<semaphore_mem>>
      %dma_start3A_123 = tpu.memref_slice %arg3[%mul3A_34, %mul3A_36] : memref<8x2048xi32, #tpu.memory_space<hbm>> -> memref<4x128xi32, #tpu.memory_space<hbm>>
      %dma_start3A_124 = tpu.memref_slice %arg3[%mul3A_34, %mul3A_36] : memref<8x2048xi32, #tpu.memory_space<hbm>> -> memref<4x128xi32, #tpu.memory_space<hbm>>
      tpu.enqueue_dma source(%dma_start3A_124 : memref<4x128xi32, #tpu.memory_space<hbm>>) target(%arg5 : memref<4x128xi32, #tpu.memory_space<vmem>>) target_semaphore(%run_scoped3A : memref<!tpu.dma_semaphore, #tpu.memory_space<semaphore_mem>>)
      %dma_wait3A_125 = tpu.memref_slice %arg3[%mul3A_34, %mul3A_36] : memref<8x2048xi32, #tpu.memory_space<hbm>> -> memref<4x128xi32, #tpu.memory_space<hbm>>
      %dma_wait3A_126 = tpu.memref_slice %arg3[%mul3A_34, %mul3A_36] : memref<8x2048xi32, #tpu.memory_space<hbm>> -> memref<4x128xi32, #tpu.memory_space<hbm>>
      tpu.wait_dma2 semaphore(%run_scoped3A : memref<!tpu.dma_semaphore, #tpu.memory_space<semaphore_mem>>) src(%dma_wait3A_126 : memref<4x128xi32, #tpu.memory_space<hbm>>) dst(%arg5 : memref<4x128xi32, #tpu.memory_space<vmem>>)
      tpu.yield
    }) : () -> ()
    %dma_start3A = arith.constant 0 : i32
    %dma_start3A_37 = arith.constant 0 : i32
    %dma_start3A_38 = tpu.memref_slice %arg5[%dma_start3A, %dma_start3A_37] : memref<4x128xi32, #tpu.memory_space<vmem>> -> memref<1x128xi32, #tpu.memory_space<vmem>>
    %dma_start3A_39 = tpu.memref_squeeze %dma_start3A_38 : memref<1x128xi32, #tpu.memory_space<vmem>> -> memref<128xi32, #tpu.memory_space<vmem>>
    %dma_start3A_40 = arith.constant 0 : i32
    %dma_start3A_41 = arith.constant 0 : i32
    %dma_start3A_42 = tpu.memref_slice %arg2[%dma_start3A_40, %dma_start3A_41] : memref<2940x32xf32, #tpu.memory_space<hbm>> -> memref<2940x32xf32, #tpu.memory_space<hbm>>
    tpu.enqueue_indirect_dma source(%dma_start3A_42 : memref<2940x32xf32, #tpu.memory_space<hbm>>) target(%arg6 : memref<128x32xf32, #tpu.memory_space<vmem>>) offsets(%dma_start3A_39 : memref<128xi32, #tpu.memory_space<vmem>>) semaphore(%arg10 : memref<!tpu.dma_semaphore, #tpu.memory_space<semaphore_mem>>)
    %dma_start3A_43 = arith.constant 1 : i32
    %dma_start3A_44 = arith.constant 0 : i32
    %dma_start3A_45 = tpu.memref_slice %arg5[%dma_start3A_43, %dma_start3A_44] : memref<4x128xi32, #tpu.memory_space<vmem>> -> memref<1x128xi32, #tpu.memory_space<vmem>>
    %dma_start3A_46 = tpu.memref_squeeze %dma_start3A_45 : memref<1x128xi32, #tpu.memory_space<vmem>> -> memref<128xi32, #tpu.memory_space<vmem>>
    %dma_start3A_47 = arith.constant 0 : i32
    %dma_start3A_48 = arith.constant 0 : i32
    %dma_start3A_49 = tpu.memref_slice %arg2[%dma_start3A_47, %dma_start3A_48] : memref<2940x32xf32, #tpu.memory_space<hbm>> -> memref<2940x32xf32, #tpu.memory_space<hbm>>
    tpu.enqueue_indirect_dma source(%dma_start3A_49 : memref<2940x32xf32, #tpu.memory_space<hbm>>) target(%arg7 : memref<128x32xf32, #tpu.memory_space<vmem>>) offsets(%dma_start3A_46 : memref<128xi32, #tpu.memory_space<vmem>>) semaphore(%arg11 : memref<!tpu.dma_semaphore, #tpu.memory_space<semaphore_mem>>)
    %dma_start3A_50 = arith.constant 2 : i32
    %dma_start3A_51 = arith.constant 0 : i32
    %dma_start3A_52 = tpu.memref_slice %arg5[%dma_start3A_50, %dma_start3A_51] : memref<4x128xi32, #tpu.memory_space<vmem>> -> memref<1x128xi32, #tpu.memory_space<vmem>>
    %dma_start3A_53 = tpu.memref_squeeze %dma_start3A_52 : memref<1x128xi32, #tpu.memory_space<vmem>> -> memref<128xi32, #tpu.memory_space<vmem>>
    %dma_start3A_54 = arith.constant 0 : i32
    %dma_start3A_55 = arith.constant 0 : i32
    %dma_start3A_56 = tpu.memref_slice %arg2[%dma_start3A_54, %dma_start3A_55] : memref<2940x32xf32, #tpu.memory_space<hbm>> -> memref<2940x32xf32, #tpu.memory_space<hbm>>
    tpu.enqueue_indirect_dma source(%dma_start3A_56 : memref<2940x32xf32, #tpu.memory_space<hbm>>) target(%arg8 : memref<128x32xf32, #tpu.memory_space<vmem>>) offsets(%dma_start3A_53 : memref<128xi32, #tpu.memory_space<vmem>>) semaphore(%arg12 : memref<!tpu.dma_semaphore, #tpu.memory_space<semaphore_mem>>)
    %dma_start3A_57 = arith.constant 3 : i32
    %dma_start3A_58 = arith.constant 0 : i32
    %dma_start3A_59 = tpu.memref_slice %arg5[%dma_start3A_57, %dma_start3A_58] : memref<4x128xi32, #tpu.memory_space<vmem>> -> memref<1x128xi32, #tpu.memory_space<vmem>>
    %dma_start3A_60 = tpu.memref_squeeze %dma_start3A_59 : memref<1x128xi32, #tpu.memory_space<vmem>> -> memref<128xi32, #tpu.memory_space<vmem>>
    %dma_start3A_61 = arith.constant 0 : i32
    %dma_start3A_62 = arith.constant 0 : i32
    %dma_start3A_63 = tpu.memref_slice %arg2[%dma_start3A_61, %dma_start3A_62] : memref<2940x32xf32, #tpu.memory_space<hbm>> -> memref<2940x32xf32, #tpu.memory_space<hbm>>
    tpu.enqueue_indirect_dma source(%dma_start3A_63 : memref<2940x32xf32, #tpu.memory_space<hbm>>) target(%arg9 : memref<128x32xf32, #tpu.memory_space<vmem>>) offsets(%dma_start3A_60 : memref<128xi32, #tpu.memory_space<vmem>>) semaphore(%arg13 : memref<!tpu.dma_semaphore, #tpu.memory_space<semaphore_mem>>)
    %dma_wait3A = arith.constant 0 : i32
    %dma_wait3A_64 = arith.constant 0 : i32
    %dma_wait3A_65 = tpu.memref_slice %arg5[%dma_wait3A, %dma_wait3A_64] : memref<4x128xi32, #tpu.memory_space<vmem>> -> memref<1x128xi32, #tpu.memory_space<vmem>>
    %dma_wait3A_66 = tpu.memref_squeeze %dma_wait3A_65 : memref<1x128xi32, #tpu.memory_space<vmem>> -> memref<128xi32, #tpu.memory_space<vmem>>
    %dma_wait3A_67 = arith.constant 0 : i32
    %dma_wait3A_68 = arith.constant 0 : i32
    %dma_wait3A_69 = tpu.memref_slice %arg2[%dma_wait3A_67, %dma_wait3A_68] : memref<2940x32xf32, #tpu.memory_space<hbm>> -> memref<2940x32xf32, #tpu.memory_space<hbm>>
    tpu.wait_indirect_dma semaphore(%arg10 : memref<!tpu.dma_semaphore, #tpu.memory_space<semaphore_mem>>) src(%dma_wait3A_69 : memref<2940x32xf32, #tpu.memory_space<hbm>>) dst(%arg6 : memref<128x32xf32, #tpu.memory_space<vmem>>)
    %dma_start3A_70 = arith.constant 0 : i32
    %dma_start3A_71 = tpu.memref_slice %arg4[%mul3A_32, %dma_start3A_70] : memref<4096x128xf32, #tpu.memory_space<hbm>> -> memref<128x32xf32, #tpu.memory_space<hbm>>
    %dma_start3A_72 = arith.constant 0 : i32
    %dma_start3A_73 = tpu.memref_slice %arg4[%mul3A_32, %dma_start3A_72] : memref<4096x128xf32, #tpu.memory_space<hbm>> -> memref<128x32xf32, #tpu.memory_space<hbm>>
    tpu.enqueue_dma source(%arg6 : memref<128x32xf32, #tpu.memory_space<vmem>>) target(%dma_start3A_73 : memref<128x32xf32, #tpu.memory_space<hbm>>) target_semaphore(%arg14 : memref<!tpu.dma_semaphore, #tpu.memory_space<semaphore_mem>>)
    %dma_wait3A_74 = arith.constant 1 : i32
    %dma_wait3A_75 = arith.constant 0 : i32
    %dma_wait3A_76 = tpu.memref_slice %arg5[%dma_wait3A_74, %dma_wait3A_75] : memref<4x128xi32, #tpu.memory_space<vmem>> -> memref<1x128xi32, #tpu.memory_space<vmem>>
    %dma_wait3A_77 = tpu.memref_squeeze %dma_wait3A_76 : memref<1x128xi32, #tpu.memory_space<vmem>> -> memref<128xi32, #tpu.memory_space<vmem>>
    %dma_wait3A_78 = arith.constant 0 : i32
    %dma_wait3A_79 = arith.constant 0 : i32
    %dma_wait3A_80 = tpu.memref_slice %arg2[%dma_wait3A_78, %dma_wait3A_79] : memref<2940x32xf32, #tpu.memory_space<hbm>> -> memref<2940x32xf32, #tpu.memory_space<hbm>>
    tpu.wait_indirect_dma semaphore(%arg11 : memref<!tpu.dma_semaphore, #tpu.memory_space<semaphore_mem>>) src(%dma_wait3A_80 : memref<2940x32xf32, #tpu.memory_space<hbm>>) dst(%arg7 : memref<128x32xf32, #tpu.memory_space<vmem>>)
    %dma_start3A_81 = arith.constant 32 : i32
    %dma_start3A_82 = tpu.memref_slice %arg4[%mul3A_32, %dma_start3A_81] : memref<4096x128xf32, #tpu.memory_space<hbm>> -> memref<128x32xf32, #tpu.memory_space<hbm>>
    %dma_start3A_83 = arith.constant 32 : i32
    %dma_start3A_84 = tpu.memref_slice %arg4[%mul3A_32, %dma_start3A_83] : memref<4096x128xf32, #tpu.memory_space<hbm>> -> memref<128x32xf32, #tpu.memory_space<hbm>>
    tpu.enqueue_dma source(%arg7 : memref<128x32xf32, #tpu.memory_space<vmem>>) target(%dma_start3A_84 : memref<128x32xf32, #tpu.memory_space<hbm>>) target_semaphore(%arg15 : memref<!tpu.dma_semaphore, #tpu.memory_space<semaphore_mem>>)
    %dma_wait3A_85 = arith.constant 2 : i32
    %dma_wait3A_86 = arith.constant 0 : i32
    %dma_wait3A_87 = tpu.memref_slice %arg5[%dma_wait3A_85, %dma_wait3A_86] : memref<4x128xi32, #tpu.memory_space<vmem>> -> memref<1x128xi32, #tpu.memory_space<vmem>>
    %dma_wait3A_88 = tpu.memref_squeeze %dma_wait3A_87 : memref<1x128xi32, #tpu.memory_space<vmem>> -> memref<128xi32, #tpu.memory_space<vmem>>
    %dma_wait3A_89 = arith.constant 0 : i32
    %dma_wait3A_90 = arith.constant 0 : i32
    %dma_wait3A_91 = tpu.memref_slice %arg2[%dma_wait3A_89, %dma_wait3A_90] : memref<2940x32xf32, #tpu.memory_space<hbm>> -> memref<2940x32xf32, #tpu.memory_space<hbm>>
    tpu.wait_indirect_dma semaphore(%arg12 : memref<!tpu.dma_semaphore, #tpu.memory_space<semaphore_mem>>) src(%dma_wait3A_91 : memref<2940x32xf32, #tpu.memory_space<hbm>>) dst(%arg8 : memref<128x32xf32, #tpu.memory_space<vmem>>)
    %dma_start3A_92 = arith.constant 64 : i32
    %dma_start3A_93 = tpu.memref_slice %arg4[%mul3A_32, %dma_start3A_92] : memref<4096x128xf32, #tpu.memory_space<hbm>> -> memref<128x32xf32, #tpu.memory_space<hbm>>
    %dma_start3A_94 = arith.constant 64 : i32
    %dma_start3A_95 = tpu.memref_slice %arg4[%mul3A_32, %dma_start3A_94] : memref<4096x128xf32, #tpu.memory_space<hbm>> -> memref<128x32xf32, #tpu.memory_space<hbm>>
    tpu.enqueue_dma source(%arg8 : memref<128x32xf32, #tpu.memory_space<vmem>>) target(%dma_start3A_95 : memref<128x32xf32, #tpu.memory_space<hbm>>) target_semaphore(%arg16 : memref<!tpu.dma_semaphore, #tpu.memory_space<semaphore_mem>>)
    %dma_wait3A_96 = arith.constant 3 : i32
    %dma_wait3A_97 = arith.constant 0 : i32
    %dma_wait3A_98 = tpu.memref_slice %arg5[%dma_wait3A_96, %dma_wait3A_97] : memref<4x128xi32, #tpu.memory_space<vmem>> -> memref<1x128xi32, #tpu.memory_space<vmem>>
    %dma_wait3A_99 = tpu.memref_squeeze %dma_wait3A_98 : memref<1x128xi32, #tpu.memory_space<vmem>> -> memref<128xi32, #tpu.memory_space<vmem>>
    %dma_wait3A_100 = arith.constant 0 : i32
    %dma_wait3A_101 = arith.constant 0 : i32
    %dma_wait3A_102 = tpu.memref_slice %arg2[%dma_wait3A_100, %dma_wait3A_101] : memref<2940x32xf32, #tpu.memory_space<hbm>> -> memref<2940x32xf32, #tpu.memory_space<hbm>>
    tpu.wait_indirect_dma semaphore(%arg13 : memref<!tpu.dma_semaphore, #tpu.memory_space<semaphore_mem>>) src(%dma_wait3A_102 : memref<2940x32xf32, #tpu.memory_space<hbm>>) dst(%arg9 : memref<128x32xf32, #tpu.memory_space<vmem>>)
    %dma_start3A_103 = arith.constant 96 : i32
    %dma_start3A_104 = tpu.memref_slice %arg4[%mul3A_32, %dma_start3A_103] : memref<4096x128xf32, #tpu.memory_space<hbm>> -> memref<128x32xf32, #tpu.memory_space<hbm>>
    %dma_start3A_105 = arith.constant 96 : i32
    %dma_start3A_106 = tpu.memref_slice %arg4[%mul3A_32, %dma_start3A_105] : memref<4096x128xf32, #tpu.memory_space<hbm>> -> memref<128x32xf32, #tpu.memory_space<hbm>>
    tpu.enqueue_dma source(%arg9 : memref<128x32xf32, #tpu.memory_space<vmem>>) target(%dma_start3A_106 : memref<128x32xf32, #tpu.memory_space<hbm>>) target_semaphore(%arg17 : memref<!tpu.dma_semaphore, #tpu.memory_space<semaphore_mem>>)
    %dma_wait3A_107 = arith.constant 0 : i32
    %dma_wait3A_108 = tpu.memref_slice %arg4[%mul3A_32, %dma_wait3A_107] : memref<4096x128xf32, #tpu.memory_space<hbm>> -> memref<128x32xf32, #tpu.memory_space<hbm>>
    %dma_wait3A_109 = arith.constant 0 : i32
    %dma_wait3A_110 = tpu.memref_slice %arg4[%mul3A_32, %dma_wait3A_109] : memref<4096x128xf32, #tpu.memory_space<hbm>> -> memref<128x32xf32, #tpu.memory_space<hbm>>
    tpu.wait_dma2 semaphore(%arg14 : memref<!tpu.dma_semaphore, #tpu.memory_space<semaphore_mem>>) src(%arg6 : memref<128x32xf32, #tpu.memory_space<vmem>>) dst(%dma_wait3A_110 : memref<128x32xf32, #tpu.memory_space<hbm>>)
    %dma_wait3A_111 = arith.constant 32 : i32
    %dma_wait3A_112 = tpu.memref_slice %arg4[%mul3A_32, %dma_wait3A_111] : memref<4096x128xf32, #tpu.memory_space<hbm>> -> memref<128x32xf32, #tpu.memory_space<hbm>>
    %dma_wait3A_113 = arith.constant 32 : i32
    %dma_wait3A_114 = tpu.memref_slice %arg4[%mul3A_32, %dma_wait3A_113] : memref<4096x128xf32, #tpu.memory_space<hbm>> -> memref<128x32xf32, #tpu.memory_space<hbm>>
    tpu.wait_dma2 semaphore(%arg15 : memref<!tpu.dma_semaphore, #tpu.memory_space<semaphore_mem>>) src(%arg7 : memref<128x32xf32, #tpu.memory_space<vmem>>) dst(%dma_wait3A_114 : memref<128x32xf32, #tpu.memory_space<hbm>>)
    %dma_wait3A_115 = arith.constant 64 : i32
    %dma_wait3A_116 = tpu.memref_slice %arg4[%mul3A_32, %dma_wait3A_115] : memref<4096x128xf32, #tpu.memory_space<hbm>> -> memref<128x32xf32, #tpu.memory_space<hbm>>
    %dma_wait3A_117 = arith.constant 64 : i32
    %dma_wait3A_118 = tpu.memref_slice %arg4[%mul3A_32, %dma_wait3A_117] : memref<4096x128xf32, #tpu.memory_space<hbm>> -> memref<128x32xf32, #tpu.memory_space<hbm>>
    tpu.wait_dma2 semaphore(%arg16 : memref<!tpu.dma_semaphore, #tpu.memory_space<semaphore_mem>>) src(%arg8 : memref<128x32xf32, #tpu.memory_space<vmem>>) dst(%dma_wait3A_118 : memref<128x32xf32, #tpu.memory_space<hbm>>)
    %dma_wait3A_119 = arith.constant 96 : i32
    %dma_wait3A_120 = tpu.memref_slice %arg4[%mul3A_32, %dma_wait3A_119] : memref<4096x128xf32, #tpu.memory_space<hbm>> -> memref<128x32xf32, #tpu.memory_space<hbm>>
    %dma_wait3A_121 = arith.constant 96 : i32
    %dma_wait3A_122 = tpu.memref_slice %arg4[%mul3A_32, %dma_wait3A_121] : memref<4096x128xf32, #tpu.memory_space<hbm>> -> memref<128x32xf32, #tpu.memory_space<hbm>>
    tpu.wait_dma2 semaphore(%arg17 : memref<!tpu.dma_semaphore, #tpu.memory_space<semaphore_mem>>) src(%arg9 : memref<128x32xf32, #tpu.memory_space<vmem>>) dst(%dma_wait3A_122 : memref<128x32xf32, #tpu.memory_space<hbm>>)
    return
  }
}

module attributes {stable_mosaic.version = 14 : i64} {
  func.func @_mlp_body(%arg0: i32, %arg1: memref<2048x128xf32, #tpu.memory_space<vmem>>, %arg2: memref<8192xf32, #tpu.memory_space<vmem>>, %arg3: memref<8192xf32, #tpu.memory_space<vmem>>, %arg4: memref<8192xf32, #tpu.memory_space<vmem>>, %arg5: memref<35x128xf32, #tpu.memory_space<vmem>>, %arg6: memref<128xf32, #tpu.memory_space<vmem>>, %arg7: memref<64x128xf32, #tpu.memory_space<vmem>>, %arg8: memref<64xf32, #tpu.memory_space<vmem>>, %arg9: memref<64xf32, #tpu.memory_space<vmem>>, %arg10: memref<1xf32, #tpu.memory_space<vmem>>, %arg11: memref<8192xf32, #tpu.memory_space<vmem>>) attributes {dimension_semantics = [#tpu.dimension_semantics<arbitrary>], iteration_bounds = array<i64: 2>, scalar_prefetch = 0 : i64, scratch_operands = 0 : i64, tpu.core_type = #tpu.core_type<tc>, window_params = [{transform_indices = @transform_0, window_bounds = array<i64: 2048, 128>}, {transform_indices = @transform_1, window_bounds = array<i64: 8192>}, {transform_indices = @transform_2, window_bounds = array<i64: 8192>}, {transform_indices = @transform_3, window_bounds = array<i64: 8192>}, {pipeline_mode = #tpu.pipeline_mode<synchronous>, transform_indices = @transform_4, window_bounds = array<i64: 35, 128>}, {pipeline_mode = #tpu.pipeline_mode<synchronous>, transform_indices = @transform_5, window_bounds = array<i64: 128>}, {pipeline_mode = #tpu.pipeline_mode<synchronous>, transform_indices = @transform_6, window_bounds = array<i64: 64, 128>}, {pipeline_mode = #tpu.pipeline_mode<synchronous>, transform_indices = @transform_7, window_bounds = array<i64: 64>}, {pipeline_mode = #tpu.pipeline_mode<synchronous>, transform_indices = @transform_8, window_bounds = array<i64: 64>}, {pipeline_mode = #tpu.pipeline_mode<synchronous>, transform_indices = @transform_9, window_bounds = array<i64: 1>}, {transform_indices = @transform_10, window_bounds = array<i64: 8192>}]} {
    %get3A = arith.constant 0 : index
    %get3A_0 = arith.constant 0 : index
    %get3A_1 = vector.load %arg1[%get3A, %get3A_0] : memref<2048x128xf32, #tpu.memory_space<vmem>>, vector<2048x128xf32>
    %get3A_2 = arith.constant 0 : index
    %get3A_3 = arith.constant 0 : index
    %get3A_4 = vector.load %arg5[%get3A_2, %get3A_3] : memref<35x128xf32, #tpu.memory_space<vmem>>, vector<32x128xf32>
    %slice3A = vector.extract_strided_slice %get3A_1 {offsets = [0, 0], sizes = [2048, 32], strides = [1, 1]} : vector<2048x128xf32> to vector<2048x32xf32>
    %transpose3A = tpu.transpose %slice3A, [1, 0] : vector<2048x32xf32> -> vector<32x2048xf32>
    %dot_general3A = arith.constant dense<0.000000e+00> : vector<128x2048xf32>
    %dot_general3A_5 = tpu.matmul %get3A_4, %transpose3A, %dot_general3A {dimension_numbers = #tpu.dot_dimension_numbers<[0], [0], [1], [1], [0, 1, 1, 1], [], []>, transpose_lhs_hint = false} : vector<32x128xf32>, vector<32x2048xf32>, vector<128x2048xf32> -> vector<128x2048xf32>
    %get3A_6 = arith.constant 0 : index
    %get3A_7 = arith.constant 0 : index
    %get3A_8 = vector.load %arg5[%get3A_6, %get3A_7] : memref<35x128xf32, #tpu.memory_space<vmem>>, vector<32x128xf32>
    %slice3A_9 = vector.extract_strided_slice %get3A_1 {offsets = [0, 32], sizes = [2048, 32], strides = [1, 1]} : vector<2048x128xf32> to vector<2048x32xf32>
    %transpose3A_10 = tpu.transpose %slice3A_9, [1, 0] : vector<2048x32xf32> -> vector<32x2048xf32>
    %dot_general3A_11 = arith.constant dense<0.000000e+00> : vector<128x2048xf32>
    %dot_general3A_12 = tpu.matmul %get3A_8, %transpose3A_10, %dot_general3A_11 {dimension_numbers = #tpu.dot_dimension_numbers<[0], [0], [1], [1], [0, 1, 1, 1], [], []>, transpose_lhs_hint = false} : vector<32x128xf32>, vector<32x2048xf32>, vector<128x2048xf32> -> vector<128x2048xf32>
    %get3A_13 = arith.constant 0 : index
    %get3A_14 = arith.constant 0 : index
    %get3A_15 = vector.load %arg5[%get3A_13, %get3A_14] : memref<35x128xf32, #tpu.memory_space<vmem>>, vector<32x128xf32>
    %slice3A_16 = vector.extract_strided_slice %get3A_1 {offsets = [0, 64], sizes = [2048, 32], strides = [1, 1]} : vector<2048x128xf32> to vector<2048x32xf32>
    %transpose3A_17 = tpu.transpose %slice3A_16, [1, 0] : vector<2048x32xf32> -> vector<32x2048xf32>
    %dot_general3A_18 = arith.constant dense<0.000000e+00> : vector<128x2048xf32>
    %dot_general3A_19 = tpu.matmul %get3A_15, %transpose3A_17, %dot_general3A_18 {dimension_numbers = #tpu.dot_dimension_numbers<[0], [0], [1], [1], [0, 1, 1, 1], [], []>, transpose_lhs_hint = false} : vector<32x128xf32>, vector<32x2048xf32>, vector<128x2048xf32> -> vector<128x2048xf32>
    %get3A_20 = arith.constant 0 : index
    %get3A_21 = arith.constant 0 : index
    %get3A_22 = vector.load %arg5[%get3A_20, %get3A_21] : memref<35x128xf32, #tpu.memory_space<vmem>>, vector<32x128xf32>
    %slice3A_23 = vector.extract_strided_slice %get3A_1 {offsets = [0, 96], sizes = [2048, 32], strides = [1, 1]} : vector<2048x128xf32> to vector<2048x32xf32>
    %transpose3A_24 = tpu.transpose %slice3A_23, [1, 0] : vector<2048x32xf32> -> vector<32x2048xf32>
    %dot_general3A_25 = arith.constant dense<0.000000e+00> : vector<128x2048xf32>
    %dot_general3A_26 = tpu.matmul %get3A_22, %transpose3A_24, %dot_general3A_25 {dimension_numbers = #tpu.dot_dimension_numbers<[0], [0], [1], [1], [0, 1, 1, 1], [], []>, transpose_lhs_hint = false} : vector<32x128xf32>, vector<32x2048xf32>, vector<128x2048xf32> -> vector<128x2048xf32>
    %concatenate3A = tpu.concatenate %dot_general3A_5, %dot_general3A_12, %dot_general3A_19, %dot_general3A_26 in 1 : vector<128x2048xf32>, vector<128x2048xf32>, vector<128x2048xf32>, vector<128x2048xf32> -> vector<128x8192xf32>
    %get3A_27 = arith.constant 0 : index
    %get3A_28 = vector.load %arg2[%get3A_27] : memref<8192xf32, #tpu.memory_space<vmem>>, vector<8192xf32>
    %reshape3A = vector.shape_cast %get3A_28 : vector<8192xf32> to vector<1x8192xf32>
    %get3A_29 = arith.constant 0 : index
    %get3A_30 = vector.load %arg3[%get3A_29] : memref<8192xf32, #tpu.memory_space<vmem>>, vector<8192xf32>
    %reshape3A_31 = vector.shape_cast %get3A_30 : vector<8192xf32> to vector<1x8192xf32>
    %get3A_32 = arith.constant 0 : index
    %get3A_33 = vector.load %arg4[%get3A_32] : memref<8192xf32, #tpu.memory_space<vmem>>, vector<8192xf32>
    %reshape3A_34 = vector.shape_cast %get3A_33 : vector<8192xf32> to vector<1x8192xf32>
    %concatenate3A_35 = tpu.concatenate %reshape3A, %reshape3A_31, %reshape3A_34 in 0 : vector<1x8192xf32>, vector<1x8192xf32>, vector<1x8192xf32> -> vector<3x8192xf32>
    %get3A_36 = arith.constant 32 : index
    %get3A_37 = arith.constant 0 : index
    %get3A_38 = vector.load %arg5[%get3A_36, %get3A_37] : memref<35x128xf32, #tpu.memory_space<vmem>>, vector<3x128xf32>
    %dot_general3A_39 = arith.constant dense<0.000000e+00> : vector<128x8192xf32>
    %dot_general3A_40 = tpu.matmul %get3A_38, %concatenate3A_35, %dot_general3A_39 {dimension_numbers = #tpu.dot_dimension_numbers<[0], [0], [1], [1], [0, 1, 1, 1], [], []>, transpose_lhs_hint = false} : vector<3x128xf32>, vector<3x8192xf32>, vector<128x8192xf32> -> vector<128x8192xf32>
    %add3A = arith.addf %concatenate3A, %dot_general3A_40 : vector<128x8192xf32>
    %get3A_41 = arith.constant 0 : index
    %get3A_42 = vector.load %arg6[%get3A_41] : memref<128xf32, #tpu.memory_space<vmem>>, vector<128xf32>
    %reshape3A_43 = vector.shape_cast %get3A_42 : vector<128xf32> to vector<1x128xf32>
    %transpose3A_44 = tpu.transpose %reshape3A_43, [1, 0] : vector<1x128xf32> -> vector<128x1xf32>
    %add3A_45 = vector.broadcast %transpose3A_44 : vector<128x1xf32> to vector<128x8192xf32>
    %add3A_46 = arith.addf %add3A, %add3A_45 : vector<128x8192xf32>
    %max3A = arith.constant 0.000000e+00 : f32
    %max3A_47 = vector.broadcast %max3A : f32 to vector<128x8192xf32>
    %max3A_48 = arith.maximumf %add3A_46, %max3A_47 : vector<128x8192xf32>
    %get3A_49 = arith.constant 0 : index
    %get3A_50 = arith.constant 0 : index
    %get3A_51 = vector.load %arg7[%get3A_49, %get3A_50] : memref<64x128xf32, #tpu.memory_space<vmem>>, vector<64x128xf32>
    %dot_general3A_52 = arith.constant dense<0.000000e+00> : vector<64x8192xf32>
    %dot_general3A_53 = tpu.matmul %get3A_51, %max3A_48, %dot_general3A_52 {dimension_numbers = #tpu.dot_dimension_numbers<[1], [0], [0], [1], [0, 0, 1, 1], [], []>, transpose_lhs_hint = false} : vector<64x128xf32>, vector<128x8192xf32>, vector<64x8192xf32> -> vector<64x8192xf32>
    %get3A_54 = arith.constant 0 : index
    %get3A_55 = vector.load %arg8[%get3A_54] : memref<64xf32, #tpu.memory_space<vmem>>, vector<64xf32>
    %reshape3A_56 = vector.shape_cast %get3A_55 : vector<64xf32> to vector<1x64xf32>
    %transpose3A_57 = tpu.transpose %reshape3A_56, [1, 0] : vector<1x64xf32> -> vector<64x1xf32>
    %add3A_58 = vector.broadcast %transpose3A_57 : vector<64x1xf32> to vector<64x8192xf32>
    %add3A_59 = arith.addf %dot_general3A_53, %add3A_58 : vector<64x8192xf32>
    %max3A_60 = arith.constant 0.000000e+00 : f32
    %max3A_61 = vector.broadcast %max3A_60 : f32 to vector<64x8192xf32>
    %max3A_62 = arith.maximumf %add3A_59, %max3A_61 : vector<64x8192xf32>
    %get3A_63 = arith.constant 0 : index
    %get3A_64 = vector.load %arg9[%get3A_63] : memref<64xf32, #tpu.memory_space<vmem>>, vector<64xf32>
    %reshape3A_65 = vector.shape_cast %get3A_64 : vector<64xf32> to vector<1x64xf32>
    %dot_general3A_66 = arith.constant dense<0.000000e+00> : vector<1x8192xf32>
    %dot_general3A_67 = tpu.matmul %reshape3A_65, %max3A_62, %dot_general3A_66 {dimension_numbers = #tpu.dot_dimension_numbers<[1], [0], [0], [1], [0, 0, 1, 1], [], []>, transpose_lhs_hint = false} : vector<1x64xf32>, vector<64x8192xf32>, vector<1x8192xf32> -> vector<1x8192xf32>
    %get3A_68 = arith.constant 0 : index
    %get3A_69 = vector.load %arg10[%get3A_68] : memref<1xf32, #tpu.memory_space<vmem>>, vector<1xf32>
    %reshape3A_70 = vector.shape_cast %get3A_69 : vector<1xf32> to vector<1x1xf32>
    %add3A_71 = vector.broadcast %reshape3A_70 : vector<1x1xf32> to vector<1x8192xf32>
    %add3A_72 = arith.addf %dot_general3A_67, %add3A_71 : vector<1x8192xf32>
    %reshape3A_73 = vector.shape_cast %add3A_72 : vector<1x8192xf32> to vector<8192xf32>
    %swap3A = arith.constant 0 : index
    %swap3A_74 = vector.load %arg11[%swap3A] : memref<8192xf32, #tpu.memory_space<vmem>>, vector<8192xf32>
    tpu.vector_store %arg11[%swap3A], %reshape3A_73 {strides = array<i32>} : memref<8192xf32, #tpu.memory_space<vmem>>, vector<8192xf32>,
    return
  }
  func.func @transform_0(%arg0: i32) -> (i32, i32) {
    %c0_i32 = arith.constant 0 : i32
    %c0_i32_0 = arith.constant 0 : i32
    return %arg0, %c0_i32 : i32, i32
  }
  func.func @transform_1(%arg0: i32) -> i32 {
    %c0_i32 = arith.constant 0 : i32
    return %arg0 : i32
  }
  func.func @transform_2(%arg0: i32) -> i32 {
    %c0_i32 = arith.constant 0 : i32
    return %arg0 : i32
  }
  func.func @transform_3(%arg0: i32) -> i32 {
    %c0_i32 = arith.constant 0 : i32
    return %arg0 : i32
  }
  func.func @transform_4(%arg0: i32) -> (i32, i32) {
    %c0_i32 = arith.constant 0 : i32
    %c0_i32_0 = arith.constant 0 : i32
    %c0_i32_1 = arith.constant 0 : i32
    return %c0_i32, %c0_i32_0 : i32, i32
  }
  func.func @transform_5(%arg0: i32) -> i32 {
    %c0_i32 = arith.constant 0 : i32
    %c0_i32_0 = arith.constant 0 : i32
    return %c0_i32 : i32
  }
  func.func @transform_6(%arg0: i32) -> (i32, i32) {
    %c0_i32 = arith.constant 0 : i32
    %c0_i32_0 = arith.constant 0 : i32
    %c0_i32_1 = arith.constant 0 : i32
    return %c0_i32, %c0_i32_0 : i32, i32
  }
  func.func @transform_7(%arg0: i32) -> i32 {
    %c0_i32 = arith.constant 0 : i32
    %c0_i32_0 = arith.constant 0 : i32
    return %c0_i32 : i32
  }
  func.func @transform_8(%arg0: i32) -> i32 {
    %c0_i32 = arith.constant 0 : i32
    %c0_i32_0 = arith.constant 0 : i32
    return %c0_i32 : i32
  }
  func.func @transform_9(%arg0: i32) -> i32 {
    %c0_i32 = arith.constant 0 : i32
    %c0_i32_0 = arith.constant 0 : i32
    return %c0_i32 : i32
  }
  func.func @transform_10(%arg0: i32) -> i32 {
    %c0_i32 = arith.constant 0 : i32
    return %arg0 : i32
  }
}

</mosaic_0001>

<sc_bundles>
// kernel: kernel.4.cloned.1.call-start
scs
__scs_entry_jumppad:
0x0: {  	(pc) =	sbr.rel $0x88, $3  }
0x1: {  	(tag) =	ssettag $0x0;
	lr =	simm.s32 $0x1  }
0x2: {  	[smem:$0x3F96] =	sst lr;
	_ =	strace $0xD0000000  }
0x3: {  	_ = 	snop  }
0x4: {  	_ = 	snop  }
0x5: {  	_ = 	snop  }
0x6: {  	_ = 	snop  }
0x7: {  	_ = 	snop  }
__scs_overlays_trampoline_lowered:
0x8: {  	[smem:$0x3FA5] =	sst s0  }
0x9: {  	[smem:$0x3FA6] =	sst s1  }
0xa: {  	[smem:$0x3FA7] =	sst s2  }
0xb: {  	[smem:$0x3FA8] =	sst s3  }
0xc: {  	[smem:$0x3FA9] =	sst s4  }
0xd: {  	[smem:$0x3FAA] =	sst s5  }
0xe: {  	[smem:$0x3FAB] =	sst s6  }
0xf: {  	[smem:$0x3FAC] =	sst s7  }
0x10: {  	[smem:$0x3FAD] =	sst s8  }
0x11: {  	[smem:$0x3FAE] =	sst s9;
	s0 =	simm.s32 @!p0 $0x0  }
0x12: {  	s1 =	sld [smem:$0x3F94];
	s0 =	simm.s32 @p0 $0x1  }
0x13: {  	[smem:$0x3FAF] =	sst s0;
	s0 =	simm.s32 @!p1 $0x0  }
0x14: {  	s2 =	sld [smem:$0x3F93];
	s0 =	simm.s32 @p1 $0x1  }
0x15: {  	[smem:$0x3FB0] =	sst s0;
	s0 =	simm.s32 @!p2 $0x0  }
0x16: {  	s3 =	sld [smem:$0x3FDB];
	s0 =	simm.s32 @p2 $0x1  }
0x17: {  	s4 =	simm.s32 $0x1BF5;
	[smem:$0x3FB2] =	sst s0  }
0x18: {  	s0 =	sld [smem:$0x3F95];
	_ =	swait.ge [sflag:s4], $0x0  }
0x19: {  	s7 =	sld [smem:$0x3F96]  }
0x1a: {  	s8 =	sadd.s32 $0xFFFFE003, lr  }
0x1b: {  	s9 =	sadd.s32 $0xFFFFFEF7, lr;
	s5 =	simm.s32 $0xFFFFFFFF;
	p2 =	slt.u32 s8, $0xFFFFF086  }
0x1c: {  	p1 =	slt.u32 s9, $0xF7A;
	s5 =	simm.s32 @!p2 $0x0  }
0x1d: {  	s5 =	simm.s32 @p1 $0x1;
	p0 =	seq.s32 s7, s2  }
0x1e: {  	s7 =	smul.u32 @!p0 $0xF7A, s2;
	p2 =	seq.s32 @!p0 s5, $0x0  }
0x1f: {  	s9 =	smul.u32 $0xF7A, s1;
	s8 =	simm.s32 @!p0 $0x1BF5;
	p2 =	por !p2, p0  }
0x20: {  	[sflag:s8] =	ssyncset.s32 @!p0 $0xFFFFF086;
	s6 =	sadd.s32 @!p0 s3, s7;
	s7 =	simm.s32 @!p0 $0x108  }
0x21: {  	s3 =	sadd.s32 s3, s9;
	s6 =	sadd.s32 @!p0 $0x88, s6;
	s7 =	simm.s32 @p2 $0x1082  }
0x22: {  	[simem:s7], [sflag:s8] =	dma.local @!p0 [hbm:s6], $0xF7A  }
0x23: {  	s9 =	sor.u32 $0xD0000000, s2;
	s6 =	simm.s32 $0x108;
	_ =	swait.ge @!p0 [sflag:s8], $0x0  }
0x24: {  	s3 =	sadd.s32 $0x88, s3;
	s6 =	simm.s32 @!p1 $0x1082;
	[sflag:s4] =	ssyncset.s32 $0xFFFFF086  }
0x25: {  	[simem:s6], [sflag:s4] =	dma.local [hbm:s3], $0xF7A  }
0x26: {  	[smem:$0x3F96] =	sst s1;
	(tag) =	ssettag s2;
	_ =	strace s9  }
0x27: {  	s1 =	sld [smem:$0x3FA6]  }
0x28: {  	s2 =	sld [smem:$0x3FA7]  }
0x29: {  	s4 =	sld [smem:$0x3FA9]  }
0x2a: {  	p0 =	seq.s32 s5, $0x0;
	s5 =	sld [smem:$0x3FAA]  }
0x2b: {  	s6 =	sld [smem:$0x3FAB]  }
0x2c: {  	s7 =	sld [smem:$0x3FAC]  }
0x2d: {  	s3 =	simm.s32 $0x108;
	s8 =	sld [smem:$0x3FAD]  }
0x2e: {  	s3 =	simm.s32 @!p0 $0x1082;
	s9 =	sld [smem:$0x3FAE]  }
0x2f: {  	lr =	sadd.s32 s0, s3;
	s0 =	sld [smem:$0x3FA5]  }
0x30: {  	s3 =	sld [smem:$0x3FA8]  }
0x31: {  	[smem:$0x3FB1] =	sst s10  }
0x32: {  	s10 =	sld [smem:$0x3FAF];
	_ =	sdelay $0x3  }
0x33: {  	p0 =	seq.s32 s10, $0x1;
	s10 =	sld [smem:$0x3FB1];
	_ =	sdelay $0x3  }
0x34: {  	[smem:$0x3FB1] =	sst s10  }
0x35: {  	s10 =	sld [smem:$0x3FB0];
	_ =	sdelay $0x3  }
0x36: {  	p1 =	seq.s32 s10, $0x1;
	s10 =	sld [smem:$0x3FB1];
	_ =	sdelay $0x3  }
0x37: {  	[smem:$0x3FB1] =	sst s10  }
0x38: {  	s10 =	sld [smem:$0x3FB2]  }
0x39: {  	_ = 	snop;
	(pc) =	sbr.ind lr, $3  }
0x3a: {  	_ = 	snop  }
0x3b: {  	_ = 	snop  }
0x3c: {  	p2 =	seq.s32 s10, $0x1;
	s10 =	sld [smem:$0x3FB1]  }
0x3d: {  	_ =	shalt  }
0x3e: {  	_ =	shalt  }
0x3f: {  	_ =	shalt  }
0x40: {  	_ =	shalt  }
0x41: {  	_ =	shalt  }
0x42: {  	_ =	shalt  }
0x43: {  	_ =	shalt  }
0x44: {  	_ =	shalt  }
0x45: {  	_ =	shalt  }
0x46: {  	_ =	shalt  }
0x47: {  	_ =	shalt  }
0x48: {  	_ =	shalt  }
0x49: {  	_ =	shalt  }
0x4a: {  	_ =	shalt  }
0x4b: {  	_ =	shalt  }
0x4c: {  	_ =	shalt  }
0x4d: {  	_ =	shalt  }
0x4e: {  	_ =	shalt  }
0x4f: {  	_ =	shalt  }
0x50: {  	_ =	shalt  }
0x51: {  	_ =	shalt  }
0x52: {  	_ =	shalt  }
0x53: {  	_ =	shalt  }
0x54: {  	_ =	shalt  }
0x55: {  	_ =	shalt  }
0x56: {  	_ =	shalt  }
0x57: {  	_ =	shalt  }
0x58: {  	_ =	shalt  }
0x59: {  	_ =	shalt  }
0x5a: {  	_ =	shalt  }
0x5b: {  	_ =	shalt  }
0x5c: {  	_ =	shalt  }
0x5d: {  	_ =	shalt  }
0x5e: {  	_ =	shalt  }
0x5f: {  	_ =	shalt  }
0x60: {  	_ =	shalt  }
0x61: {  	_ =	shalt  }
0x62: {  	_ =	shalt  }
0x63: {  	_ =	shalt  }
0x64: {  	_ =	shalt  }
0x65: {  	_ =	shalt  }
0x66: {  	_ =	shalt  }
0x67: {  	_ =	shalt  }
0x68: {  	_ =	shalt  }
0x69: {  	_ =	shalt  }
0x6a: {  	_ =	shalt  }
0x6b: {  	_ =	shalt  }
0x6c: {  	_ =	shalt  }
0x6d: {  	_ =	shalt  }
0x6e: {  	_ =	shalt  }
0x6f: {  	_ =	shalt  }
0x70: {  	_ =	shalt  }
0x71: {  	_ =	shalt  }
0x72: {  	_ =	shalt  }
0x73: {  	_ =	shalt  }
0x74: {  	_ =	shalt  }
0x75: {  	_ =	shalt  }
0x76: {  	_ =	shalt  }
0x77: {  	_ =	shalt  }
0x78: {  	_ =	shalt  }
0x79: {  	_ =	shalt  }
0x7a: {  	_ =	shalt  }
0x7b: {  	_ =	shalt  }
0x7c: {  	_ =	shalt  }
0x7d: {  	_ =	shalt  }
0x7e: {  	_ =	shalt  }
0x7f: {  	_ =	shalt  }
0x80: {  	_ =	shalt  }
0x81: {  	_ =	shalt  }
0x82: {  	_ =	shalt  }
0x83: {  	_ =	shalt  }
0x84: {  	_ =	shalt  }
0x85: {  	_ =	shalt  }
0x86: {  	_ =	shalt  }
0x87: {  	_ =	shalt  }
.Lfunc_end0:
.L_simem_size_0:
called_computation_lowered:
.L_overlay_start_0:
0x88: {  	s2 =	sld [smem:$0x3FD9]  }
0x89: {  	s3 =	sld [smem:$0x3FFE];
	_ =	sdelay $0x1  }
0x8a: {  	s1 =	srdreg.scid  }
0x8b: {  	s0 =	sand.u32 $0x1, s1  }
0x8c: {  	s17 =	sshll.u32 s0, $0xA;
	s2 =	sadd.s32 s3, s2  }
0x8d: {  	s2 =	sadd.s32 s2, s17  }
0x8e: {  	[smem:$0x3FBD] =	sst s2  }
0x8f: {  	_ = 	snop  }
0x90: {  	s2 =	sld [smem:$0x3FC9];
	(tm) =	ssettm $0x1  }
0x91: {  	s18 =	sld [smem:$0x3FFB];
	_ =	sdelay $0x3  }
0x92: {  	_ =	strace s18  }
0x93: {  	s3 =	sld [smem:$0x3FFC];
	_ =	sdelay $0x3  }
0x94: {  	_ =	strace s3  }
0x95: {  	s3 =	sld [smem:$0x3FFD];
	_ =	sdelay $0x3  }
0x96: {  	_ =	strace s3  }
0x97: {  	_ =	strace $0x8FFFFFFF  }
0x98: {  	s19 =	sld [smem:$0x3FDB];
	_ =	sdelay $0x1  }
0x99: {  	s4 =	simm.s32 $_scs_section_size  }
0x9a: {  	s5 =	simm.s32 $_size__tile_overlayer_lowered;
	s6 =	simm.s32 $_tile_overlayer_lowered  }
0x9b: {  	s22 =	simm.s32 $0x1BFF;
	s21 =	sshll.u32 s6, $0x1;
	s3 =	sadd.s32 s4, s19  }
0x9c: {  	s7 =	simm.s32 $0x0;
	s20 =	sshll.u32 s5, $0x1;
	s5 =	sadd.s32 s21, s3  }
0x9d: {  	[timem:s7], [sflag:s22] =	dma.local [hbm:s5], s20  }
0x9e: {  	_ =	swait.ge [sflag:s22], s20  }
0x9f: {  	s4 =	ssub.s32 $0x0, s20;
	[sflag:s22] =	ssyncset.done $0x0  }
0xa0: {  	[sflag:s22] =	ssyncadd.s32 s4;
	_ =	sdelay $0x1  }
0xa1: {  	s23 =	simm.s32 $0x1B8B  }
0xa2: {  	_ =	swait.ge [sflag:s23], $0x1  }
0xa3: {  	[sflag:s23] =	ssyncset.done $0x0  }
0xa4: {  	s25 =	simm.s32 $0x1B8E;
	s24 =	sld [smem:$0x3FFE];
	[sflag:s23] =	ssyncadd.s32 $0xFFFFFFFF  }
0xa5: {  	s26 =	simm.s32 $execute0_lowered;
	[smem:$0x3FD2] =	sst s25  }
0xa6: {  	s5 =	sshll.u32 s26, $0x1;
	_ =	strace $0x80000046;
	[dreg:$0x1] =	wrdreg $0xFFFFFFFF  }
0xa7: {  	s28 =	simm.s32 $_size_execute0_lowered;
	s3 =	sadd.s32 s3, s5;
	[dreg:$0x0] =	wrdreg $0x0  }
0xa8: {  	s5 =	sshll.u32 s28, $0x1;
	[dreg:$0x2] =	wrdreg s3  }
0xa9: {  	[dreg:$0x3] =	wrdreg s5  }
0xaa: {  	[dreg:$0x4] =	wrdreg $0xC0  }
0xab: {  	_ =	task [dreg:s7], $0x5FFFF  }
0xac: {  	[dreg:$0x1] =	wrdreg $0xFFFFFFFF  }
0xad: {  	[dreg:$0x0] =	wrdreg $0x60  }
0xae: {  	[dreg:$0x2] =	wrdreg s24  }
0xaf: {  	[dreg:$0x3] =	wrdreg s2  }
0xb0: {  	[dreg:$0x4] =	wrdreg $0x9  }
0xb1: {  	_ =	task.clear_ibuf [dreg:s7], $0x5FFFF;
	_ =	strace $0x90000046  }
0xb2: {  	s29 =	simm.s32 $0x9;
	_ =	strace $0x80000048  }
0xb3: {  	_ =	swait.ge [sflag:s29], $0x1  }
0xb4: {  	[sflag:s29] =	ssyncadd.s32 $0xFFFFFFFF  }
0xb5: {  	_ =	strace $0x90000048  }
0xb6: {  	_ =	sfence  }
0xb7: {  	s30 =	sld [smem:$0x0];
	_ =	sdelay $0x2  }
0xb8: {  	s31 =	sshll.u32 s1, $0xD;
	s1 =	sshrl.u32 s1, $0x2  }
0xb9: {  	s3 =	sand.u32 $0x4000, s31;
	s1 =	sadd.s32 s1, s30  }
0xba: {  	s0 =	sor.u32 s3, s0;
	s1 =	sshll.u32 s1, $0x11  }
0xbb: {  	s0 =	sor.u32 s1, s0  }
0xbc: {  	s0 =	sadd.s32 $0x8F2B, s0  }
0xbd: {  	[sflag:s0] =	ssyncadd.remote.s32 $0x1  }
0xbe: {  	_ =	sfence.sel $0xFFFF  }
0xbf: {  	[dreg:$0x0] =	wrdreg $0xFFFFFFFF;
	(pc) =	sbr.abs _section_cstart, $3  }
0xc0: {  	[dreg:$0x1] =	wrdreg $0xFFFFFFFF  }
0xc1: {  	_ =	task.clear_ibuf [dreg:s7], $0x2FFFF;
	_ =	strace $0x9FFFFFFF  }
0xc2: {  	(tm) =	ssettm $0x7FFFFFFF  }
0xc3: {  	_ =	shalt  }
tec
execute0_lowered:
.L_overlay_start_1:
0x0: {  	(tag) =	ssettag $0x1  }
0x1: {  	s15 =	rddreg [dreg:$0x0];
	s1 =	srdreg.scid  }
0x2: {  	s0 =	stileid.u32;
	s3 =	rddreg [dreg:$0x1];
	s6 =	simm.s32 $0x9  }
0x3: {  	s25 =	sand.u32 $0x1, s1;
	s2 =	sshll.u32 s0, $0x1;
	s1 =	rddreg [dreg:$0x2]  }
0x4: {  	s4 =	sshll.u32 s0, $0x7;
	s10 =	sor.u32 s25, s2;
	s2 =	simm.s32 $0x0  }
0x5: {  	s4 =	sand.u32 $0x400, s4;
	s5 =	sshll.u32 s10, $0x4;
	[smem:$0x7FF] =	sst s2  }
0x6: {  	s3 =	sadd.s32 s3, s4;
	s4 =	simm.s32 $0x80;
	s5 =	sand.u32 $0xF0, s5  }
0x7: {  	_ =	strace $0x80000047;
	s3 =	sadd.s32 s5, s3;
	s5 =	simm.s32 $0x800  }
0x8: {  	[tilespmem:s2], [sflag:$0x9] =	stream.strided.gather [hbm4b:s3+s4], $0x200, s5, s4, $0x38;
	[tilespmem:$0x4200] =	vst v63  }
0x9: {  	_ =	swait.ge [sflag:s6], $0x200  }
0xa: {  	[sflag:s6] =	ssyncset.done $0x0  }
0xb: {  	s8 =	simm.s32 $0x200;
	s7 =	sadd.s32 $0x1600, s15;
	[sflag:s6] =	ssyncadd.s32 $0xFFFFFE00  }
0xc: {  	[tilespmem:s8], [sflag:$0x1] =	stream.indirect.gather [hbm4b:s7+s4], $0x20, s2, s4, $0xb8;
	[tilespmem:$0x4200] =	vst v63  }
0xd: {  	s9 =	simm.s32 $0x1200  }
0xe: {  	[tilespmem:s9], [sflag:$0x2] =	stream.indirect.gather [hbm4b:s7+s4], $0x20, s4, s4, $0xb8;
	[tilespmem:$0x4200] =	vst v63  }
0xf: {  	s11 =	simm.s32 $0x2200;
	s16 =	sshll.u32 s10, $0xB;
	s10 =	simm.s32 $0x100  }
0x10: {  	[tilespmem:s11], [sflag:$0x3] =	stream.indirect.gather [hbm4b:s7+s4], $0x20, s10, s4, $0xb8;
	[tilespmem:$0x4200] =	vst v63  }
0x11: {  	s12 =	simm.s32 $0x180;
	s13 =	simm.s32 $0x3200;
	s14 =	simm.s32 $0x1  }
0x12: {  	[tilespmem:s13], [sflag:$0x4] =	stream.indirect.gather [hbm4b:s7+s4], $0x20, s12, s4, $0xb8;
	[tilespmem:$0x4200] =	vst v63  }
0x13: {  	_ =	swait.ge [sflag:s14], $0x1000  }
0x14: {  	s17 =	simm.s32 $0x2;
	s22 =	sadd.s32 s16, s15;
	[sflag:s14] =	ssyncset.done $0x0  }
0x15: {  	s16 =	simm.s32 $0x20;
	s15 =	sadd.s32 $0x4400, s22;
	[sflag:s14] =	ssyncadd.s32 $0xFFFFF000  }
0x16: {  	[hbm4b:s15+s16] =	stream.strided.scatter [tilespmem:s8], [sflag:$0x5], $0x1000, s4, s16, $0x38;
	[tilespmem:$0x4200] =	vst v63  }
0x17: {  	_ =	swait.ge [sflag:s17], $0x1000  }
0x18: {  	[sflag:s17] =	ssyncset.done $0x0  }
0x19: {  	s19 =	simm.s32 $0x3;
	s18 =	sadd.s32 $0x4404, s22;
	[sflag:s17] =	ssyncadd.s32 $0xFFFFF000  }
0x1a: {  	[hbm4b:s18+s16] =	stream.strided.scatter [tilespmem:s9], [sflag:$0x6], $0x1000, s4, s16, $0x38;
	[tilespmem:$0x4200] =	vst v63  }
0x1b: {  	_ =	swait.ge [sflag:s19], $0x1000  }
0x1c: {  	[sflag:s19] =	ssyncset.done $0x0  }
0x1d: {  	s21 =	simm.s32 $0x4;
	s20 =	sadd.s32 $0x4408, s22;
	[sflag:s19] =	ssyncadd.s32 $0xFFFFF000  }
0x1e: {  	[hbm4b:s20+s16] =	stream.strided.scatter [tilespmem:s11], [sflag:$0x7], $0x1000, s4, s16, $0x38;
	[tilespmem:$0x4200] =	vst v63  }
0x1f: {  	_ =	swait.ge [sflag:s21], $0x1000  }
0x20: {  	[sflag:s21] =	ssyncset.done $0x0  }
0x21: {  	s23 =	simm.s32 $0x5;
	s22 =	sadd.s32 $0x440C, s22;
	[sflag:s21] =	ssyncadd.s32 $0xFFFFF000  }
0x22: {  	[hbm4b:s22+s16] =	stream.strided.scatter [tilespmem:s13], [sflag:$0x8], $0x1000, s4, s16, $0x38;
	[tilespmem:$0x4200] =	vst v63  }
0x23: {  	_ =	swait.ge [sflag:s23], $0x1000  }
0x24: {  	s26 =	ssub.s32 $0x2, s25;
	[sflag:s23] =	ssyncset.done $0x0  }
0x25: {  	s24 =	simm.s32 $0x6;
	s28 =	sshrl.u32 s26, $0x1;
	[sflag:s23] =	ssyncadd.s32 $0xFFFFF000  }
0x26: {  	s26 =	ssub.s32 s26, s28;
	_ =	swait.ge [sflag:s24], $0x1000  }
0x27: {  	s28 =	smax.u32 s26, $0x1;
	[sflag:s24] =	ssyncset.done $0x0  }
0x28: {  	s25 =	simm.s32 $0x7;
	p0 =	sne.s32 s28, $0x1;
	[sflag:s24] =	ssyncadd.s32 $0xFFFFF000  }
.Ltmp0:
0x29: {  	_ =	swait.ge [sflag:s25], $0x1000;
	(pc) =	sbr.rel @!p0 .LBB2_2-.Ltmp0, $4  }
0x2a: {  	[sflag:s25] =	ssyncset.done $0x0  }
0x2b: {  	s26 =	simm.s32 $0x8;
	[sflag:s25] =	ssyncadd.s32 $0xFFFFF000  }
0x2c: {  	_ =	swait.ge [sflag:s26], $0x1000  }
0x2d: {  	s28 =	sadd.s32 $0xFFFFFFFF, s28;
	[sflag:s26] =	ssyncset.done $0x0  }
.LBB2_1:
0x2e: {  	p0 =	sne.s32 s28, $0x1;
	s28 =	sadd.s32 $0xFFFFFFFF, s28;
	[sflag:s26] =	ssyncadd.s32 $0xFFFFF000  }
0x2f: {  	[tilespmem:s2], [sflag:$0x9] =	stream.strided.gather [hbm4b:s3+s4], $0x200, s5, s4, $0x38;
	[tilespmem:$0x4200] =	vst v63  }
0x30: {  	_ =	swait.ge [sflag:s6], $0x200  }
0x31: {  	[sflag:s6] =	ssyncset.done $0x0  }
0x32: {  	[sflag:s6] =	ssyncadd.s32 $0xFFFFFE00  }
0x33: {  	[tilespmem:s8], [sflag:$0x1] =	stream.indirect.gather [hbm4b:s7+s4], $0x20, s2, s4, $0xb8;
	[tilespmem:$0x4200] =	vst v63  }
0x34: {  	_ = 	snop  }
0x35: {  	[tilespmem:s9], [sflag:$0x2] =	stream.indirect.gather [hbm4b:s7+s4], $0x20, s4, s4, $0xb8;
	[tilespmem:$0x4200] =	vst v63  }
0x36: {  	_ = 	snop  }
0x37: {  	[tilespmem:s11], [sflag:$0x3] =	stream.indirect.gather [hbm4b:s7+s4], $0x20, s10, s4, $0xb8;
	[tilespmem:$0x4200] =	vst v63  }
0x38: {  	_ = 	snop  }
0x39: {  	[tilespmem:s13], [sflag:$0x4] =	stream.indirect.gather [hbm4b:s7+s4], $0x20, s12, s4, $0xb8;
	[tilespmem:$0x4200] =	vst v63  }
0x3a: {  	_ =	swait.ge [sflag:s14], $0x1000  }
0x3b: {  	[sflag:s14] =	ssyncset.done $0x0  }
0x3c: {  	[sflag:s14] =	ssyncadd.s32 $0xFFFFF000  }
0x3d: {  	[hbm4b:s15+s16] =	stream.strided.scatter [tilespmem:s8], [sflag:$0x5], $0x1000, s4, s16, $0x38;
	[tilespmem:$0x4200] =	vst v63  }
0x3e: {  	_ =	swait.ge [sflag:s17], $0x1000  }
0x3f: {  	[sflag:s17] =	ssyncset.done $0x0  }
0x40: {  	[sflag:s17] =	ssyncadd.s32 $0xFFFFF000  }
0x41: {  	[hbm4b:s18+s16] =	stream.strided.scatter [tilespmem:s9], [sflag:$0x6], $0x1000, s4, s16, $0x38;
	[tilespmem:$0x4200] =	vst v63  }
0x42: {  	_ =	swait.ge [sflag:s19], $0x1000  }
0x43: {  	[sflag:s19] =	ssyncset.done $0x0  }
0x44: {  	[sflag:s19] =	ssyncadd.s32 $0xFFFFF000  }
0x45: {  	[hbm4b:s20+s16] =	stream.strided.scatter [tilespmem:s11], [sflag:$0x7], $0x1000, s4, s16, $0x38;
	[tilespmem:$0x4200] =	vst v63  }
0x46: {  	_ =	swait.ge [sflag:s21], $0x1000  }
0x47: {  	[sflag:s21] =	ssyncset.done $0x0  }
0x48: {  	[sflag:s21] =	ssyncadd.s32 $0xFFFFF000  }
0x49: {  	[hbm4b:s22+s16] =	stream.strided.scatter [tilespmem:s13], [sflag:$0x8], $0x1000, s4, s16, $0x38;
	[tilespmem:$0x4200] =	vst v63  }
0x4a: {  	_ =	swait.ge [sflag:s23], $0x1000  }
0x4b: {  	[sflag:s23] =	ssyncset.done $0x0  }
0x4c: {  	[sflag:s23] =	ssyncadd.s32 $0xFFFFF000  }
0x4d: {  	_ =	swait.ge [sflag:s24], $0x1000  }
0x4e: {  	[sflag:s24] =	ssyncset.done $0x0  }
0x4f: {  	[sflag:s24] =	ssyncadd.s32 $0xFFFFF000  }
.Ltmp1:
0x50: {  	_ =	swait.ge [sflag:s25], $0x1000;
	(pc) =	sbr.rel @p0 .LBB2_1-.Ltmp1, $4  }
0x51: {  	[sflag:s25] =	ssyncset.done $0x0  }
0x52: {  	[sflag:s25] =	ssyncadd.s32 $0xFFFFF000  }
0x53: {  	_ =	swait.ge [sflag:s26], $0x1000  }
0x54: {  	[sflag:s26] =	ssyncset.done $0x0  }
.LBB2_2:
0x55: {  	[sflag:s26] =	ssyncadd.s32 $0xFFFFF000  }
0x56: {  	_ =	sfence.sel $0x180000  }
0x57: {  	[bflag:$0x0] =	sbarrier.arrive $0xFFFF  }
0x58: {  	p0 =	sne.s32 s0, $0x0;
	_ =	strace $0x90000047  }
0x59: {  	s0 =	sadd.s32 @!p0 $0x100000, s1;
	[bflag:$0x2] =	sbarrier.arrive $0xFFFF  }
0x5a: {  	[sflag:s0] =	ssyncadd.tile.s32 @!p0 $0x1;
	_ =	shalt  }
.Lfunc_end2:
_tile_overlayer_lowered:
.L_overlay_start_2:
0x5b: {  	(tag) =	ssettag $0x2  }
0x5c: {  	s0 =	rddreg [dreg:$0x0];
	s2 =	stileid.u32  }
0x5d: {  	s1 =	rddreg [dreg:$0x1];
	p0 =	sne.s32 s2, $0x0  }
0x5e: {  	s3 =	rddreg [dreg:$0x2];
	[bflag:$0x3] =	sbarrier.arrive $0xFFFF;
	s2 =	simm.s32 @!p0 $0x1C09  }
0x5f: {  	[timem:s3], [sflag:s2] =	dma.local @!p0 [hbm:s0], s1  }
0x60: {  	s0 =	simm.s32 @!p0 $0x9  }
0x61: {  	_ =	swait.ge @!p0 [sflag:s0], s1  }
0x62: {  	s1 =	ssub.s32 @!p0 $0x0, s1;
	[sflag:s0] =	ssyncset.done @!p0 $0x0  }
0x63: {  	[sflag:s0] =	ssyncadd.s32 @!p0 s1  }
0x64: {  	[bflag:$0x3] =	sbarrier.arrive $0xFFFF  }
0x65: {  	_ =	shalt  }

</sc_bundles>
